<compile_context>
chip_gen: v7x
topology: tpu7x:2x2x1
jax: 0.10.2.dev20260603
libtpu: 0.0.44.dev20260713+nightly
codegen_flags: <defaults>
</compile_context>

<pallas_src>
import functools

import jax
import jax.numpy as jnp
from jax import lax
from jax.experimental import pallas as pl
from jax.experimental.pallas import tpu as pltpu
from jax.experimental.pallas import tpu_sc as plsc

D_MODEL = 1024
NUM_CORES = 2
NUM_SUBCORES = 16
NUM_WORKERS = NUM_CORES * NUM_SUBCORES
CHUNK = 16
NBUF = 4


@functools.partial(jax.jit, static_argnames=())
def _gather_rows(pe, idx_flat):
    n = idx_flat.shape[0]
    b_per_w = n // NUM_WORKERS
    n_chunks = b_per_w // CHUNK
    mesh = plsc.VectorSubcoreMesh(core_axis_name="c", subcore_axis_name="s")

    @functools.partial(
        pl.kernel,
        mesh=mesh,
        out_type=jax.ShapeDtypeStruct((n, D_MODEL), jnp.float32),
        scratch_types=[
            pltpu.VMEM((b_per_w,), jnp.int32),
        ]
        + [pltpu.VMEM((CHUNK, D_MODEL), jnp.float32)] * NBUF
        + [pltpu.SemaphoreType.DMA] * (2 * NBUF),
    )
    def k(table_hbm, idx_hbm, out_hbm, idx_v, *bufs_and_sems):
        bufs = bufs_and_sems[:NBUF]
        gsems = bufs_and_sems[NBUF : 2 * NBUF]
        wsems = bufs_and_sems[2 * NBUF :]
        wid = lax.axis_index("s") * NUM_CORES + lax.axis_index("c")
        base = wid * b_per_w
        pltpu.sync_copy(idx_hbm.at[pl.ds(base, b_per_w)], idx_v)

        def gather_start(ci, s):
            pltpu.async_copy(
                table_hbm.at[idx_v.at[pl.ds(ci * CHUNK, CHUNK)]], bufs[s], gsems[s]
            )

        def gather_wait(s):
            pltpu.make_async_copy(
                table_hbm.at[idx_v.at[pl.ds(0, CHUNK)]], bufs[s], gsems[s]
            ).wait()

        def write_start(ci, s):
            pltpu.async_copy(
                bufs[s], out_hbm.at[pl.ds(base + ci * CHUNK, CHUNK)], wsems[s]
            )

        def write_drain(s):
            pltpu.make_async_copy(
                bufs[s], out_hbm.at[pl.ds(base, CHUNK)], wsems[s]
            ).wait()

        gather_start(0, 0)
        gather_start(1, 1)

        @pl.loop(0, n_chunks, step=NBUF)
        def _(j):
            for s in range(NBUF):
                c = j + s
                s2 = (s + 2) % NBUF
                gather_wait(s)
                write_start(c, s)

                @pl.when(c + 2 < n_chunks)
                def _(c=c, s2=s2):
                    @pl.when(c >= 2)
                    def _():
                        write_drain(s2)

                    gather_start(c + 2, s2)

        for s in range(NBUF):
            write_drain(s)

    return k(pe, idx_flat)


def kernel(pe, indexes):
    b, s = indexes.shape
    idx_flat = indexes.astype(jnp.int32).reshape(b * s)
    out = _gather_rows(pe, idx_flat)
    return out.reshape(b, s, D_MODEL)

# --- scband reference (transcript-rebuilt; emitter-appended) ---
"""Pipeline reference for scband-absolute-positional-encoding-23888608100572 (READ-ONLY COPY).

The authoritative reference and input builder live on the scoring server;
editing this copy changes nothing except your own understanding.
"""

import jax, jax.numpy as jnp
import numpy as np

D_MODEL = 1024
MAX_SEQ_LEN = 8192


def _build_pe(max_seq_len: int, d_model: int) -> jnp.ndarray:
    # Faithful vectorized reproduction of the torch double loop:
    #   pe[pos, i]   = sin(pos / 10000 ** (2 * i / d_model))        for even i
    #   pe[pos, i+1] = cos(pos / 10000 ** (2 * (i + 1) / d_model))   for even i
    pos = np.arange(max_seq_len, dtype=np.float64)[:, None]
    i_even = np.arange(0, d_model, 2, dtype=np.float64)[None, :]
    pe = np.zeros((max_seq_len, d_model), dtype=np.float64)
    pe[:, 0::2] = np.sin(pos / np.power(10000.0, 2.0 * i_even / d_model))
    pe[:, 1::2] = np.cos(pos / np.power(10000.0, 2.0 * (i_even + 1.0) / d_model))
    return jnp.asarray(pe, dtype=jnp.float32)


def setup_inputs(seed: int = 0) -> dict:
    key = jax.random.key(seed)
    k_idx, _ = jax.random.split(key)
    indexes = jax.random.randint(k_idx, (4, 8192), 0, MAX_SEQ_LEN, dtype=jnp.int64 if jax.config.jax_enable_x64 else jnp.int32)
    pe = _build_pe(MAX_SEQ_LEN, D_MODEL)
    return {"pe": pe, "indexes": indexes}


def reference(pe, indexes):
    # forward: self.pe[indexes.type(torch.int64)]
    idx = indexes.astype(jnp.int32)
    return jnp.take(pe, idx, axis=0)

if __name__ == "__main__":
    import jax
    _d = setup_inputs()
    print(jax.jit(kernel)(*tuple(_d.values())))

</pallas_src>

<mosaic_0001>
#map = affine_map<(d0, d1) -> (0, 0)>
#map1 = affine_map<(d0, d1) -> (0)>
module attributes {stable_mosaic.version = 14 : i64} {
  func.func @k(%arg0: i32, %arg1: i32, %arg2: memref<8192x1024xf32, #tpu.memory_space<hbm>>, %arg3: memref<32768xi32, #tpu.memory_space<hbm>>, %arg4: memref<32768x1024xf32, #tpu.memory_space<hbm>>, %arg5: memref<1024xi32, #tpu.memory_space<vmem>>, %arg6: memref<16x1024xf32, #tpu.memory_space<vmem>>, %arg7: memref<16x1024xf32, #tpu.memory_space<vmem>>, %arg8: memref<16x1024xf32, #tpu.memory_space<vmem>>, %arg9: memref<16x1024xf32, #tpu.memory_space<vmem>>, %arg10: memref<!tpu.dma_semaphore, #tpu.memory_space<semaphore_mem>>, %arg11: memref<!tpu.dma_semaphore, #tpu.memory_space<semaphore_mem>>, %arg12: memref<!tpu.dma_semaphore, #tpu.memory_space<semaphore_mem>>, %arg13: memref<!tpu.dma_semaphore, #tpu.memory_space<semaphore_mem>>, %arg14: memref<!tpu.dma_semaphore, #tpu.memory_space<semaphore_mem>>, %arg15: memref<!tpu.dma_semaphore, #tpu.memory_space<semaphore_mem>>, %arg16: memref<!tpu.dma_semaphore, #tpu.memory_space<semaphore_mem>>, %arg17: memref<!tpu.dma_semaphore, #tpu.memory_space<semaphore_mem>>) attributes {dimension_semantics = [#tpu.dimension_semantics<core_parallel>, #tpu.dimension_semantics<subcore_parallel>], iteration_bounds = array<i64: 2, 16>, scalar_prefetch = 0 : i64, scratch_operands = 13 : i64, tpu.core_type = #tpu.core_type<sc_vector_subcore>, window_params = [{transform_indices = #map}, {transform_indices = #map1}, {transform_indices = #map}]} {
    %mul3A = arith.constant 2 : i32
    %mul3A_0 = arith.muli %arg1, %mul3A : i32
    %add3A = arith.addi %mul3A_0, %arg0 : i32
    %mul3A_1 = arith.constant 1024 : i32
    %mul3A_2 = arith.muli %add3A, %mul3A_1 : i32
    "tpu.region"() ({
      %run_scoped3A = tpu.sem_alloc : memref<!tpu.dma_semaphore, #tpu.memory_space<semaphore_mem>>
      %dma_start3A_31 = tpu.memref_slice %arg3[%mul3A_2] : memref<32768xi32, #tpu.memory_space<hbm>> -> memref<1024xi32, #tpu.memory_space<hbm>>
      %dma_start3A_32 = tpu.memref_slice %arg3[%mul3A_2] : memref<32768xi32, #tpu.memory_space<hbm>> -> memref<1024xi32, #tpu.memory_space<hbm>>
      tpu.enqueue_dma source(%dma_start3A_32 : memref<1024xi32, #tpu.memory_space<hbm>>) target(%arg5 : memref<1024xi32, #tpu.memory_space<vmem>>) target_semaphore(%run_scoped3A : memref<!tpu.dma_semaphore, #tpu.memory_space<semaphore_mem>>)
      %dma_wait3A_33 = tpu.memref_slice %arg3[%mul3A_2] : memref<32768xi32, #tpu.memory_space<hbm>> -> memref<1024xi32, #tpu.memory_space<hbm>>
      %dma_wait3A_34 = tpu.memref_slice %arg3[%mul3A_2] : memref<32768xi32, #tpu.memory_space<hbm>> -> memref<1024xi32, #tpu.memory_space<hbm>>
      tpu.wait_dma2 semaphore(%run_scoped3A : memref<!tpu.dma_semaphore, #tpu.memory_space<semaphore_mem>>) src(%dma_wait3A_34 : memref<1024xi32, #tpu.memory_space<hbm>>) dst(%arg5 : memref<1024xi32, #tpu.memory_space<vmem>>)
      tpu.yield
    }) : () -> ()
    %dma_start3A = arith.constant 0 : i32
    %dma_start3A_3 = tpu.memref_slice %arg5[%dma_start3A] : memref<1024xi32, #tpu.memory_space<vmem>> -> memref<16xi32, #tpu.memory_space<vmem>>
    %dma_start3A_4 = arith.constant 0 : i32
    %dma_start3A_5 = arith.constant 0 : i32
    %dma_start3A_6 = tpu.memref_slice %arg2[%dma_start3A_4, %dma_start3A_5] : memref<8192x1024xf32, #tpu.memory_space<hbm>> -> memref<8192x1024xf32, #tpu.memory_space<hbm>>
    tpu.enqueue_indirect_dma source(%dma_start3A_6 : memref<8192x1024xf32, #tpu.memory_space<hbm>>) target(%arg6 : memref<16x1024xf32, #tpu.memory_space<vmem>>) offsets(%dma_start3A_3 : memref<16xi32, #tpu.memory_space<vmem>>) semaphore(%arg10 : memref<!tpu.dma_semaphore, #tpu.memory_space<semaphore_mem>>)
    %dma_start3A_7 = arith.constant 16 : i32
    %dma_start3A_8 = tpu.memref_slice %arg5[%dma_start3A_7] : memref<1024xi32, #tpu.memory_space<vmem>> -> memref<16xi32, #tpu.memory_space<vmem>>
    %dma_start3A_9 = arith.constant 0 : i32
    %dma_start3A_10 = arith.constant 0 : i32
    %dma_start3A_11 = tpu.memref_slice %arg2[%dma_start3A_9, %dma_start3A_10] : memref<8192x1024xf32, #tpu.memory_space<hbm>> -> memref<8192x1024xf32, #tpu.memory_space<hbm>>
    tpu.enqueue_indirect_dma source(%dma_start3A_11 : memref<8192x1024xf32, #tpu.memory_space<hbm>>) target(%arg7 : memref<16x1024xf32, #tpu.memory_space<vmem>>) offsets(%dma_start3A_8 : memref<16xi32, #tpu.memory_space<vmem>>) semaphore(%arg11 : memref<!tpu.dma_semaphore, #tpu.memory_space<semaphore_mem>>)
    %scan3A = arith.constant 0 : i32
    %scan3A_12 = arith.constant 16 : i32
    %scan3A_13 = arith.addi %scan3A, %scan3A_12 : i32
    %scan3A_14 = arith.constant 1 : i32
    scf.for %scan3A_31 = %scan3A to %scan3A_13 step %scan3A_14  : i32 {
      %mul3A_32 = arith.constant 4 : i32
      %mul3A_33 = arith.muli %scan3A_31, %mul3A_32 : i32
      %add3A_34 = arith.constant 0 : i32
      %add3A_35 = arith.addi %add3A_34, %mul3A_33 : i32
      %add3A_36 = arith.constant 0 : i32
      %add3A_37 = arith.addi %add3A_35, %add3A_36 : i32
      %dma_wait3A_38 = arith.constant 0 : i32
      %dma_wait3A_39 = tpu.memref_slice %arg5[%dma_wait3A_38] : memref<1024xi32, #tpu.memory_space<vmem>> -> memref<16xi32, #tpu.memory_space<vmem>>
      %dma_wait3A_40 = arith.constant 0 : i32
      %dma_wait3A_41 = arith.constant 0 : i32
      %dma_wait3A_42 = tpu.memref_slice %arg2[%dma_wait3A_40, %dma_wait3A_41] : memref<8192x1024xf32, #tpu.memory_space<hbm>> -> memref<8192x1024xf32, #tpu.memory_space<hbm>>
      tpu.wait_indirect_dma semaphore(%arg10 : memref<!tpu.dma_semaphore, #tpu.memory_space<semaphore_mem>>) src(%dma_wait3A_42 : memref<8192x1024xf32, #tpu.memory_space<hbm>>) dst(%arg6 : memref<16x1024xf32, #tpu.memory_space<vmem>>)
      %mul3A_43 = arith.constant 16 : i32
      %mul3A_44 = arith.muli %add3A_37, %mul3A_43 : i32
      %add3A_45 = arith.addi %mul3A_2, %mul3A_44 : i32
      %dma_start3A_46 = arith.constant 0 : i32
      %dma_start3A_47 = tpu.memref_slice %arg4[%add3A_45, %dma_start3A_46] : memref<32768x1024xf32, #tpu.memory_space<hbm>> -> memref<16x1024xf32, #tpu.memory_space<hbm>>
      %dma_start3A_48 = arith.constant 0 : i32
      %dma_start3A_49 = tpu.memref_slice %arg4[%add3A_45, %dma_start3A_48] : memref<32768x1024xf32, #tpu.memory_space<hbm>> -> memref<16x1024xf32, #tpu.memory_space<hbm>>
      tpu.enqueue_dma source(%arg6 : memref<16x1024xf32, #tpu.memory_space<vmem>>) target(%dma_start3A_49 : memref<16x1024xf32, #tpu.memory_space<hbm>>) target_semaphore(%arg14 : memref<!tpu.dma_semaphore, #tpu.memory_space<semaphore_mem>>)
      %add3A_50 = arith.constant 2 : i32
      %add3A_51 = arith.addi %add3A_37, %add3A_50 : i32
      %lt3A = arith.constant 64 : i32
      %lt3A_52 = arith.cmpi slt, %add3A_51, %lt3A : i32
      %convert_element_type3A = arith.extui %lt3A_52 : i1 to i32
      %cond3A = arith.constant 0 : i32
      %cond3A_53 = arith.cmpi ne, %convert_element_type3A, %cond3A : i32
      scf.if %cond3A_53 {
        %ge3A = arith.constant 2 : i32
        %ge3A_117 = arith.cmpi sge, %add3A_37, %ge3A : i32
        %convert_element_type3A_118 = arith.extui %ge3A_117 : i1 to i32
        %cond3A_119 = arith.constant 0 : i32
        %cond3A_120 = arith.cmpi ne, %convert_element_type3A_118, %cond3A_119 : i32
        scf.if %cond3A_120 {
          %dma_wait3A_129 = arith.constant 0 : i32
          %dma_wait3A_130 = tpu.memref_slice %arg4[%mul3A_2, %dma_wait3A_129] : memref<32768x1024xf32, #tpu.memory_space<hbm>> -> memref<16x1024xf32, #tpu.memory_space<hbm>>
          %dma_wait3A_131 = arith.constant 0 : i32
          %dma_wait3A_132 = tpu.memref_slice %arg4[%mul3A_2, %dma_wait3A_131] : memref<32768x1024xf32, #tpu.memory_space<hbm>> -> memref<16x1024xf32, #tpu.memory_space<hbm>>
          tpu.wait_dma2 semaphore(%arg16 : memref<!tpu.dma_semaphore, #tpu.memory_space<semaphore_mem>>) src(%arg8 : memref<16x1024xf32, #tpu.memory_space<vmem>>) dst(%dma_wait3A_132 : memref<16x1024xf32, #tpu.memory_space<hbm>>)
        } else {
        }
        %add3A_121 = arith.constant 2 : i32
        %add3A_122 = arith.addi %add3A_37, %add3A_121 : i32
        %mul3A_123 = arith.constant 16 : i32
        %mul3A_124 = arith.muli %add3A_122, %mul3A_123 : i32
        %dma_start3A_125 = tpu.memref_slice %arg5[%mul3A_124] : memref<1024xi32, #tpu.memory_space<vmem>> -> memref<16xi32, #tpu.memory_space<vmem>>
        %dma_start3A_126 = arith.constant 0 : i32
        %dma_start3A_127 = arith.constant 0 : i32
        %dma_start3A_128 = tpu.memref_slice %arg2[%dma_start3A_126, %dma_start3A_127] : memref<8192x1024xf32, #tpu.memory_space<hbm>> -> memref<8192x1024xf32, #tpu.memory_space<hbm>>
        tpu.enqueue_indirect_dma source(%dma_start3A_128 : memref<8192x1024xf32, #tpu.memory_space<hbm>>) target(%arg8 : memref<16x1024xf32, #tpu.memory_space<vmem>>) offsets(%dma_start3A_125 : memref<16xi32, #tpu.memory_space<vmem>>) semaphore(%arg12 : memref<!tpu.dma_semaphore, #tpu.memory_space<semaphore_mem>>)
      } else {
      }
      %add3A_54 = arith.constant 1 : i32
      %add3A_55 = arith.addi %add3A_35, %add3A_54 : i32
      %dma_wait3A_56 = arith.constant 0 : i32
      %dma_wait3A_57 = tpu.memref_slice %arg5[%dma_wait3A_56] : memref<1024xi32, #tpu.memory_space<vmem>> -> memref<16xi32, #tpu.memory_space<vmem>>
      %dma_wait3A_58 = arith.constant 0 : i32
      %dma_wait3A_59 = arith.constant 0 : i32
      %dma_wait3A_60 = tpu.memref_slice %arg2[%dma_wait3A_58, %dma_wait3A_59] : memref<8192x1024xf32, #tpu.memory_space<hbm>> -> memref<8192x1024xf32, #tpu.memory_space<hbm>>
      tpu.wait_indirect_dma semaphore(%arg11 : memref<!tpu.dma_semaphore, #tpu.memory_space<semaphore_mem>>) src(%dma_wait3A_60 : memref<8192x1024xf32, #tpu.memory_space<hbm>>) dst(%arg7 : memref<16x1024xf32, #tpu.memory_space<vmem>>)
      %mul3A_61 = arith.constant 16 : i32
      %mul3A_62 = arith.muli %add3A_55, %mul3A_61 : i32
      %add3A_63 = arith.addi %mul3A_2, %mul3A_62 : i32
      %dma_start3A_64 = arith.constant 0 : i32
      %dma_start3A_65 = tpu.memref_slice %arg4[%add3A_63, %dma_start3A_64] : memref<32768x1024xf32, #tpu.memory_space<hbm>> -> memref<16x1024xf32, #tpu.memory_space<hbm>>
      %dma_start3A_66 = arith.constant 0 : i32
      %dma_start3A_67 = tpu.memref_slice %arg4[%add3A_63, %dma_start3A_66] : memref<32768x1024xf32, #tpu.memory_space<hbm>> -> memref<16x1024xf32, #tpu.memory_space<hbm>>
      tpu.enqueue_dma source(%arg7 : memref<16x1024xf32, #tpu.memory_space<vmem>>) target(%dma_start3A_67 : memref<16x1024xf32, #tpu.memory_space<hbm>>) target_semaphore(%arg15 : memref<!tpu.dma_semaphore, #tpu.memory_space<semaphore_mem>>)
      %add3A_68 = arith.constant 2 : i32
      %add3A_69 = arith.addi %add3A_55, %add3A_68 : i32
      %lt3A_70 = arith.constant 64 : i32
      %lt3A_71 = arith.cmpi slt, %add3A_69, %lt3A_70 : i32
      %convert_element_type3A_72 = arith.extui %lt3A_71 : i1 to i32
      %cond3A_73 = arith.constant 0 : i32
      %cond3A_74 = arith.cmpi ne, %convert_element_type3A_72, %cond3A_73 : i32
      scf.if %cond3A_74 {
        %ge3A = arith.constant 2 : i32
        %ge3A_117 = arith.cmpi sge, %add3A_55, %ge3A : i32
        %convert_element_type3A_118 = arith.extui %ge3A_117 : i1 to i32
        %cond3A_119 = arith.constant 0 : i32
        %cond3A_120 = arith.cmpi ne, %convert_element_type3A_118, %cond3A_119 : i32
        scf.if %cond3A_120 {
          %dma_wait3A_129 = arith.constant 0 : i32
          %dma_wait3A_130 = tpu.memref_slice %arg4[%mul3A_2, %dma_wait3A_129] : memref<32768x1024xf32, #tpu.memory_space<hbm>> -> memref<16x1024xf32, #tpu.memory_space<hbm>>
          %dma_wait3A_131 = arith.constant 0 : i32
          %dma_wait3A_132 = tpu.memref_slice %arg4[%mul3A_2, %dma_wait3A_131] : memref<32768x1024xf32, #tpu.memory_space<hbm>> -> memref<16x1024xf32, #tpu.memory_space<hbm>>
          tpu.wait_dma2 semaphore(%arg17 : memref<!tpu.dma_semaphore, #tpu.memory_space<semaphore_mem>>) src(%arg9 : memref<16x1024xf32, #tpu.memory_space<vmem>>) dst(%dma_wait3A_132 : memref<16x1024xf32, #tpu.memory_space<hbm>>)
        } else {
        }
        %add3A_121 = arith.constant 2 : i32
        %add3A_122 = arith.addi %add3A_55, %add3A_121 : i32
        %mul3A_123 = arith.constant 16 : i32
        %mul3A_124 = arith.muli %add3A_122, %mul3A_123 : i32
        %dma_start3A_125 = tpu.memref_slice %arg5[%mul3A_124] : memref<1024xi32, #tpu.memory_space<vmem>> -> memref<16xi32, #tpu.memory_space<vmem>>
        %dma_start3A_126 = arith.constant 0 : i32
        %dma_start3A_127 = arith.constant 0 : i32
        %dma_start3A_128 = tpu.memref_slice %arg2[%dma_start3A_126, %dma_start3A_127] : memref<8192x1024xf32, #tpu.memory_space<hbm>> -> memref<8192x1024xf32, #tpu.memory_space<hbm>>
        tpu.enqueue_indirect_dma source(%dma_start3A_128 : memref<8192x1024xf32, #tpu.memory_space<hbm>>) target(%arg9 : memref<16x1024xf32, #tpu.memory_space<vmem>>) offsets(%dma_start3A_125 : memref<16xi32, #tpu.memory_space<vmem>>) semaphore(%arg13 : memref<!tpu.dma_semaphore, #tpu.memory_space<semaphore_mem>>)
      } else {
      }
      %add3A_75 = arith.constant 2 : i32
      %add3A_76 = arith.addi %add3A_35, %add3A_75 : i32
      %dma_wait3A_77 = arith.constant 0 : i32
      %dma_wait3A_78 = tpu.memref_slice %arg5[%dma_wait3A_77] : memref<1024xi32, #tpu.memory_space<vmem>> -> memref<16xi32, #tpu.memory_space<vmem>>
      %dma_wait3A_79 = arith.constant 0 : i32
      %dma_wait3A_80 = arith.constant 0 : i32
      %dma_wait3A_81 = tpu.memref_slice %arg2[%dma_wait3A_79, %dma_wait3A_80] : memref<8192x1024xf32, #tpu.memory_space<hbm>> -> memref<8192x1024xf32, #tpu.memory_space<hbm>>
      tpu.wait_indirect_dma semaphore(%arg12 : memref<!tpu.dma_semaphore, #tpu.memory_space<semaphore_mem>>) src(%dma_wait3A_81 : memref<8192x1024xf32, #tpu.memory_space<hbm>>) dst(%arg8 : memref<16x1024xf32, #tpu.memory_space<vmem>>)
      %mul3A_82 = arith.constant 16 : i32
      %mul3A_83 = arith.muli %add3A_76, %mul3A_82 : i32
      %add3A_84 = arith.addi %mul3A_2, %mul3A_83 : i32
      %dma_start3A_85 = arith.constant 0 : i32
      %dma_start3A_86 = tpu.memref_slice %arg4[%add3A_84, %dma_start3A_85] : memref<32768x1024xf32, #tpu.memory_space<hbm>> -> memref<16x1024xf32, #tpu.memory_space<hbm>>
      %dma_start3A_87 = arith.constant 0 : i32
      %dma_start3A_88 = tpu.memref_slice %arg4[%add3A_84, %dma_start3A_87] : memref<32768x1024xf32, #tpu.memory_space<hbm>> -> memref<16x1024xf32, #tpu.memory_space<hbm>>
      tpu.enqueue_dma source(%arg8 : memref<16x1024xf32, #tpu.memory_space<vmem>>) target(%dma_start3A_88 : memref<16x1024xf32, #tpu.memory_space<hbm>>) target_semaphore(%arg16 : memref<!tpu.dma_semaphore, #tpu.memory_space<semaphore_mem>>)
      %add3A_89 = arith.constant 2 : i32
      %add3A_90 = arith.addi %add3A_76, %add3A_89 : i32
      %lt3A_91 = arith.constant 64 : i32
      %lt3A_92 = arith.cmpi slt, %add3A_90, %lt3A_91 : i32
      %convert_element_type3A_93 = arith.extui %lt3A_92 : i1 to i32
      %cond3A_94 = arith.constant 0 : i32
      %cond3A_95 = arith.cmpi ne, %convert_element_type3A_93, %cond3A_94 : i32
      scf.if %cond3A_95 {
        %ge3A = arith.constant 2 : i32
        %ge3A_117 = arith.cmpi sge, %add3A_76, %ge3A : i32
        %convert_element_type3A_118 = arith.extui %ge3A_117 : i1 to i32
        %cond3A_119 = arith.constant 0 : i32
        %cond3A_120 = arith.cmpi ne, %convert_element_type3A_118, %cond3A_119 : i32
        scf.if %cond3A_120 {
          %dma_wait3A_129 = arith.constant 0 : i32
          %dma_wait3A_130 = tpu.memref_slice %arg4[%mul3A_2, %dma_wait3A_129] : memref<32768x1024xf32, #tpu.memory_space<hbm>> -> memref<16x1024xf32, #tpu.memory_space<hbm>>
          %dma_wait3A_131 = arith.constant 0 : i32
          %dma_wait3A_132 = tpu.memref_slice %arg4[%mul3A_2, %dma_wait3A_131] : memref<32768x1024xf32, #tpu.memory_space<hbm>> -> memref<16x1024xf32, #tpu.memory_space<hbm>>
          tpu.wait_dma2 semaphore(%arg14 : memref<!tpu.dma_semaphore, #tpu.memory_space<semaphore_mem>>) src(%arg6 : memref<16x1024xf32, #tpu.memory_space<vmem>>) dst(%dma_wait3A_132 : memref<16x1024xf32, #tpu.memory_space<hbm>>)
        } else {
        }
        %add3A_121 = arith.constant 2 : i32
        %add3A_122 = arith.addi %add3A_76, %add3A_121 : i32
        %mul3A_123 = arith.constant 16 : i32
        %mul3A_124 = arith.muli %add3A_122, %mul3A_123 : i32
        %dma_start3A_125 = tpu.memref_slice %arg5[%mul3A_124] : memref<1024xi32, #tpu.memory_space<vmem>> -> memref<16xi32, #tpu.memory_space<vmem>>
        %dma_start3A_126 = arith.constant 0 : i32
        %dma_start3A_127 = arith.constant 0 : i32
        %dma_start3A_128 = tpu.memref_slice %arg2[%dma_start3A_126, %dma_start3A_127] : memref<8192x1024xf32, #tpu.memory_space<hbm>> -> memref<8192x1024xf32, #tpu.memory_space<hbm>>
        tpu.enqueue_indirect_dma source(%dma_start3A_128 : memref<8192x1024xf32, #tpu.memory_space<hbm>>) target(%arg6 : memref<16x1024xf32, #tpu.memory_space<vmem>>) offsets(%dma_start3A_125 : memref<16xi32, #tpu.memory_space<vmem>>) semaphore(%arg10 : memref<!tpu.dma_semaphore, #tpu.memory_space<semaphore_mem>>)
      } else {
      }
      %add3A_96 = arith.constant 3 : i32
      %add3A_97 = arith.addi %add3A_35, %add3A_96 : i32
      %dma_wait3A_98 = arith.constant 0 : i32
      %dma_wait3A_99 = tpu.memref_slice %arg5[%dma_wait3A_98] : memref<1024xi32, #tpu.memory_space<vmem>> -> memref<16xi32, #tpu.memory_space<vmem>>
      %dma_wait3A_100 = arith.constant 0 : i32
      %dma_wait3A_101 = arith.constant 0 : i32
      %dma_wait3A_102 = tpu.memref_slice %arg2[%dma_wait3A_100, %dma_wait3A_101] : memref<8192x1024xf32, #tpu.memory_space<hbm>> -> memref<8192x1024xf32, #tpu.memory_space<hbm>>
      tpu.wait_indirect_dma semaphore(%arg13 : memref<!tpu.dma_semaphore, #tpu.memory_space<semaphore_mem>>) src(%dma_wait3A_102 : memref<8192x1024xf32, #tpu.memory_space<hbm>>) dst(%arg9 : memref<16x1024xf32, #tpu.memory_space<vmem>>)
      %mul3A_103 = arith.constant 16 : i32
      %mul3A_104 = arith.muli %add3A_97, %mul3A_103 : i32
      %add3A_105 = arith.addi %mul3A_2, %mul3A_104 : i32
      %dma_start3A_106 = arith.constant 0 : i32
      %dma_start3A_107 = tpu.memref_slice %arg4[%add3A_105, %dma_start3A_106] : memref<32768x1024xf32, #tpu.memory_space<hbm>> -> memref<16x1024xf32, #tpu.memory_space<hbm>>
      %dma_start3A_108 = arith.constant 0 : i32
      %dma_start3A_109 = tpu.memref_slice %arg4[%add3A_105, %dma_start3A_108] : memref<32768x1024xf32, #tpu.memory_space<hbm>> -> memref<16x1024xf32, #tpu.memory_space<hbm>>
      tpu.enqueue_dma source(%arg9 : memref<16x1024xf32, #tpu.memory_space<vmem>>) target(%dma_start3A_109 : memref<16x1024xf32, #tpu.memory_space<hbm>>) target_semaphore(%arg17 : memref<!tpu.dma_semaphore, #tpu.memory_space<semaphore_mem>>)
      %add3A_110 = arith.constant 2 : i32
      %add3A_111 = arith.addi %add3A_97, %add3A_110 : i32
      %lt3A_112 = arith.constant 64 : i32
      %lt3A_113 = arith.cmpi slt, %add3A_111, %lt3A_112 : i32
      %convert_element_type3A_114 = arith.extui %lt3A_113 : i1 to i32
      %cond3A_115 = arith.constant 0 : i32
      %cond3A_116 = arith.cmpi ne, %convert_element_type3A_114, %cond3A_115 : i32
      scf.if %cond3A_116 {
        %ge3A = arith.constant 2 : i32
        %ge3A_117 = arith.cmpi sge, %add3A_97, %ge3A : i32
        %convert_element_type3A_118 = arith.extui %ge3A_117 : i1 to i32
        %cond3A_119 = arith.constant 0 : i32
        %cond3A_120 = arith.cmpi ne, %convert_element_type3A_118, %cond3A_119 : i32
        scf.if %cond3A_120 {
          %dma_wait3A_129 = arith.constant 0 : i32
          %dma_wait3A_130 = tpu.memref_slice %arg4[%mul3A_2, %dma_wait3A_129] : memref<32768x1024xf32, #tpu.memory_space<hbm>> -> memref<16x1024xf32, #tpu.memory_space<hbm>>
          %dma_wait3A_131 = arith.constant 0 : i32
          %dma_wait3A_132 = tpu.memref_slice %arg4[%mul3A_2, %dma_wait3A_131] : memref<32768x1024xf32, #tpu.memory_space<hbm>> -> memref<16x1024xf32, #tpu.memory_space<hbm>>
          tpu.wait_dma2 semaphore(%arg15 : memref<!tpu.dma_semaphore, #tpu.memory_space<semaphore_mem>>) src(%arg7 : memref<16x1024xf32, #tpu.memory_space<vmem>>) dst(%dma_wait3A_132 : memref<16x1024xf32, #tpu.memory_space<hbm>>)
        } else {
        }
        %add3A_121 = arith.constant 2 : i32
        %add3A_122 = arith.addi %add3A_97, %add3A_121 : i32
        %mul3A_123 = arith.constant 16 : i32
        %mul3A_124 = arith.muli %add3A_122, %mul3A_123 : i32
        %dma_start3A_125 = tpu.memref_slice %arg5[%mul3A_124] : memref<1024xi32, #tpu.memory_space<vmem>> -> memref<16xi32, #tpu.memory_space<vmem>>
        %dma_start3A_126 = arith.constant 0 : i32
        %dma_start3A_127 = arith.constant 0 : i32
        %dma_start3A_128 = tpu.memref_slice %arg2[%dma_start3A_126, %dma_start3A_127] : memref<8192x1024xf32, #tpu.memory_space<hbm>> -> memref<8192x1024xf32, #tpu.memory_space<hbm>>
        tpu.enqueue_indirect_dma source(%dma_start3A_128 : memref<8192x1024xf32, #tpu.memory_space<hbm>>) target(%arg7 : memref<16x1024xf32, #tpu.memory_space<vmem>>) offsets(%dma_start3A_125 : memref<16xi32, #tpu.memory_space<vmem>>) semaphore(%arg11 : memref<!tpu.dma_semaphore, #tpu.memory_space<semaphore_mem>>)
      } else {
      }
    }
    %scan3A_15 = arith.constant 16 : i32
    %dma_wait3A = arith.constant 0 : i32
    %dma_wait3A_16 = tpu.memref_slice %arg4[%mul3A_2, %dma_wait3A] : memref<32768x1024xf32, #tpu.memory_space<hbm>> -> memref<16x1024xf32, #tpu.memory_space<hbm>>
    %dma_wait3A_17 = arith.constant 0 : i32
    %dma_wait3A_18 = tpu.memref_slice %arg4[%mul3A_2, %dma_wait3A_17] : memref<32768x1024xf32, #tpu.memory_space<hbm>> -> memref<16x1024xf32, #tpu.memory_space<hbm>>
    tpu.wait_dma2 semaphore(%arg14 : memref<!tpu.dma_semaphore, #tpu.memory_space<semaphore_mem>>) src(%arg6 : memref<16x1024xf32, #tpu.memory_space<vmem>>) dst(%dma_wait3A_18 : memref<16x1024xf32, #tpu.memory_space<hbm>>)
    %dma_wait3A_19 = arith.constant 0 : i32
    %dma_wait3A_20 = tpu.memref_slice %arg4[%mul3A_2, %dma_wait3A_19] : memref<32768x1024xf32, #tpu.memory_space<hbm>> -> memref<16x1024xf32, #tpu.memory_space<hbm>>
    %dma_wait3A_21 = arith.constant 0 : i32
    %dma_wait3A_22 = tpu.memref_slice %arg4[%mul3A_2, %dma_wait3A_21] : memref<32768x1024xf32, #tpu.memory_space<hbm>> -> memref<16x1024xf32, #tpu.memory_space<hbm>>
    tpu.wait_dma2 semaphore(%arg15 : memref<!tpu.dma_semaphore, #tpu.memory_space<semaphore_mem>>) src(%arg7 : memref<16x1024xf32, #tpu.memory_space<vmem>>) dst(%dma_wait3A_22 : memref<16x1024xf32, #tpu.memory_space<hbm>>)
    %dma_wait3A_23 = arith.constant 0 : i32
    %dma_wait3A_24 = tpu.memref_slice %arg4[%mul3A_2, %dma_wait3A_23] : memref<32768x1024xf32, #tpu.memory_space<hbm>> -> memref<16x1024xf32, #tpu.memory_space<hbm>>
    %dma_wait3A_25 = arith.constant 0 : i32
    %dma_wait3A_26 = tpu.memref_slice %arg4[%mul3A_2, %dma_wait3A_25] : memref<32768x1024xf32, #tpu.memory_space<hbm>> -> memref<16x1024xf32, #tpu.memory_space<hbm>>
    tpu.wait_dma2 semaphore(%arg16 : memref<!tpu.dma_semaphore, #tpu.memory_space<semaphore_mem>>) src(%arg8 : memref<16x1024xf32, #tpu.memory_space<vmem>>) dst(%dma_wait3A_26 : memref<16x1024xf32, #tpu.memory_space<hbm>>)
    %dma_wait3A_27 = arith.constant 0 : i32
    %dma_wait3A_28 = tpu.memref_slice %arg4[%mul3A_2, %dma_wait3A_27] : memref<32768x1024xf32, #tpu.memory_space<hbm>> -> memref<16x1024xf32, #tpu.memory_space<hbm>>
    %dma_wait3A_29 = arith.constant 0 : i32
    %dma_wait3A_30 = tpu.memref_slice %arg4[%mul3A_2, %dma_wait3A_29] : memref<32768x1024xf32, #tpu.memory_space<hbm>> -> memref<16x1024xf32, #tpu.memory_space<hbm>>
    tpu.wait_dma2 semaphore(%arg17 : memref<!tpu.dma_semaphore, #tpu.memory_space<semaphore_mem>>) src(%arg9 : memref<16x1024xf32, #tpu.memory_space<vmem>>) dst(%dma_wait3A_30 : memref<16x1024xf32, #tpu.memory_space<hbm>>)
    return
  }
}

</mosaic_0001>

<sc_bundles>
// kernel: _gather_rows.3.cloned.1.call-start
scs
__scs_entry_jumppad:
0x0: {  	(pc) =	sbr.rel $0x88, $3  }
0x1: {  	(tag) =	ssettag $0x0;
	lr =	simm.s32 $0x1  }
0x2: {  	[smem:$0x3F9F] =	sst lr;
	_ =	strace $0xD0000000  }
0x3: {  	_ = 	snop  }
0x4: {  	_ = 	snop  }
0x5: {  	_ = 	snop  }
0x6: {  	_ = 	snop  }
0x7: {  	_ = 	snop  }
__scs_overlays_trampoline_lowered:
0x8: {  	[smem:$0x3FAE] =	sst s0  }
0x9: {  	[smem:$0x3FAF] =	sst s1  }
0xa: {  	[smem:$0x3FB0] =	sst s2  }
0xb: {  	[smem:$0x3FB1] =	sst s3  }
0xc: {  	[smem:$0x3FB2] =	sst s4  }
0xd: {  	[smem:$0x3FB3] =	sst s5  }
0xe: {  	[smem:$0x3FB4] =	sst s6  }
0xf: {  	[smem:$0x3FB5] =	sst s7  }
0x10: {  	[smem:$0x3FB6] =	sst s8  }
0x11: {  	[smem:$0x3FB7] =	sst s9;
	s0 =	simm.s32 @!p0 $0x0  }
0x12: {  	s1 =	sld [smem:$0x3F9D];
	s0 =	simm.s32 @p0 $0x1  }
0x13: {  	[smem:$0x3FB8] =	sst s0;
	s0 =	simm.s32 @!p1 $0x0  }
0x14: {  	s2 =	sld [smem:$0x3F9C];
	s0 =	simm.s32 @p1 $0x1  }
0x15: {  	[smem:$0x3FB9] =	sst s0;
	s0 =	simm.s32 @!p2 $0x0  }
0x16: {  	s3 =	sld [smem:$0x3FDB];
	s0 =	simm.s32 @p2 $0x1  }
0x17: {  	s4 =	simm.s32 $0x1BF5;
	[smem:$0x3FBB] =	sst s0  }
0x18: {  	s0 =	sld [smem:$0x3F9E];
	_ =	swait.ge [sflag:s4], $0x0  }
0x19: {  	s7 =	sld [smem:$0x3F9F]  }
0x1a: {  	s8 =	sadd.s32 $0xFFFFE003, lr  }
0x1b: {  	s9 =	sadd.s32 $0xFFFFFEF7, lr;
	s5 =	simm.s32 $0xFFFFFFFF;
	p2 =	slt.u32 s8, $0xFFFFF086  }
0x1c: {  	p1 =	slt.u32 s9, $0xF7A;
	s5 =	simm.s32 @!p2 $0x0  }
0x1d: {  	s5 =	simm.s32 @p1 $0x1;
	p0 =	seq.s32 s7, s2  }
0x1e: {  	s7 =	smul.u32 @!p0 $0xF7A, s2;
	p2 =	seq.s32 @!p0 s5, $0x0  }
0x1f: {  	s9 =	smul.u32 $0xF7A, s1;
	s8 =	simm.s32 @!p0 $0x1BF5;
	p2 =	por !p2, p0  }
0x20: {  	[sflag:s8] =	ssyncset.s32 @!p0 $0xFFFFF086;
	s6 =	sadd.s32 @!p0 s3, s7;
	s7 =	simm.s32 @!p0 $0x108  }
0x21: {  	s3 =	sadd.s32 s3, s9;
	s6 =	sadd.s32 @!p0 $0x88, s6;
	s7 =	simm.s32 @p2 $0x1082  }
0x22: {  	[simem:s7], [sflag:s8] =	dma.local @!p0 [hbm:s6], $0xF7A  }
0x23: {  	s9 =	sor.u32 $0xD0000000, s2;
	s6 =	simm.s32 $0x108;
	_ =	swait.ge @!p0 [sflag:s8], $0x0  }
0x24: {  	s3 =	sadd.s32 $0x88, s3;
	s6 =	simm.s32 @!p1 $0x1082;
	[sflag:s4] =	ssyncset.s32 $0xFFFFF086  }
0x25: {  	[simem:s6], [sflag:s4] =	dma.local [hbm:s3], $0xF7A  }
0x26: {  	[smem:$0x3F9F] =	sst s1;
	(tag) =	ssettag s2;
	_ =	strace s9  }
0x27: {  	s1 =	sld [smem:$0x3FAF]  }
0x28: {  	s2 =	sld [smem:$0x3FB0]  }
0x29: {  	s4 =	sld [smem:$0x3FB2]  }
0x2a: {  	p0 =	seq.s32 s5, $0x0;
	s5 =	sld [smem:$0x3FB3]  }
0x2b: {  	s6 =	sld [smem:$0x3FB4]  }
0x2c: {  	s7 =	sld [smem:$0x3FB5]  }
0x2d: {  	s3 =	simm.s32 $0x108;
	s8 =	sld [smem:$0x3FB6]  }
0x2e: {  	s3 =	simm.s32 @!p0 $0x1082;
	s9 =	sld [smem:$0x3FB7]  }
0x2f: {  	lr =	sadd.s32 s0, s3;
	s0 =	sld [smem:$0x3FAE]  }
0x30: {  	s3 =	sld [smem:$0x3FB1]  }
0x31: {  	[smem:$0x3FBA] =	sst s10  }
0x32: {  	s10 =	sld [smem:$0x3FB8];
	_ =	sdelay $0x3  }
0x33: {  	p0 =	seq.s32 s10, $0x1;
	s10 =	sld [smem:$0x3FBA];
	_ =	sdelay $0x3  }
0x34: {  	[smem:$0x3FBA] =	sst s10  }
0x35: {  	s10 =	sld [smem:$0x3FB9];
	_ =	sdelay $0x3  }
0x36: {  	p1 =	seq.s32 s10, $0x1;
	s10 =	sld [smem:$0x3FBA];
	_ =	sdelay $0x3  }
0x37: {  	[smem:$0x3FBA] =	sst s10  }
0x38: {  	s10 =	sld [smem:$0x3FBB]  }
0x39: {  	_ = 	snop;
	(pc) =	sbr.ind lr, $3  }
0x3a: {  	_ = 	snop  }
0x3b: {  	_ = 	snop  }
0x3c: {  	p2 =	seq.s32 s10, $0x1;
	s10 =	sld [smem:$0x3FBA]  }
0x3d: {  	_ =	shalt  }
0x3e: {  	_ =	shalt  }
0x3f: {  	_ =	shalt  }
0x40: {  	_ =	shalt  }
0x41: {  	_ =	shalt  }
0x42: {  	_ =	shalt  }
0x43: {  	_ =	shalt  }
0x44: {  	_ =	shalt  }
0x45: {  	_ =	shalt  }
0x46: {  	_ =	shalt  }
0x47: {  	_ =	shalt  }
0x48: {  	_ =	shalt  }
0x49: {  	_ =	shalt  }
0x4a: {  	_ =	shalt  }
0x4b: {  	_ =	shalt  }
0x4c: {  	_ =	shalt  }
0x4d: {  	_ =	shalt  }
0x4e: {  	_ =	shalt  }
0x4f: {  	_ =	shalt  }
0x50: {  	_ =	shalt  }
0x51: {  	_ =	shalt  }
0x52: {  	_ =	shalt  }
0x53: {  	_ =	shalt  }
0x54: {  	_ =	shalt  }
0x55: {  	_ =	shalt  }
0x56: {  	_ =	shalt  }
0x57: {  	_ =	shalt  }
0x58: {  	_ =	shalt  }
0x59: {  	_ =	shalt  }
0x5a: {  	_ =	shalt  }
0x5b: {  	_ =	shalt  }
0x5c: {  	_ =	shalt  }
0x5d: {  	_ =	shalt  }
0x5e: {  	_ =	shalt  }
0x5f: {  	_ =	shalt  }
0x60: {  	_ =	shalt  }
0x61: {  	_ =	shalt  }
0x62: {  	_ =	shalt  }
0x63: {  	_ =	shalt  }
0x64: {  	_ =	shalt  }
0x65: {  	_ =	shalt  }
0x66: {  	_ =	shalt  }
0x67: {  	_ =	shalt  }
0x68: {  	_ =	shalt  }
0x69: {  	_ =	shalt  }
0x6a: {  	_ =	shalt  }
0x6b: {  	_ =	shalt  }
0x6c: {  	_ =	shalt  }
0x6d: {  	_ =	shalt  }
0x6e: {  	_ =	shalt  }
0x6f: {  	_ =	shalt  }
0x70: {  	_ =	shalt  }
0x71: {  	_ =	shalt  }
0x72: {  	_ =	shalt  }
0x73: {  	_ =	shalt  }
0x74: {  	_ =	shalt  }
0x75: {  	_ =	shalt  }
0x76: {  	_ =	shalt  }
0x77: {  	_ =	shalt  }
0x78: {  	_ =	shalt  }
0x79: {  	_ =	shalt  }
0x7a: {  	_ =	shalt  }
0x7b: {  	_ =	shalt  }
0x7c: {  	_ =	shalt  }
0x7d: {  	_ =	shalt  }
0x7e: {  	_ =	shalt  }
0x7f: {  	_ =	shalt  }
0x80: {  	_ =	shalt  }
0x81: {  	_ =	shalt  }
0x82: {  	_ =	shalt  }
0x83: {  	_ =	shalt  }
0x84: {  	_ =	shalt  }
0x85: {  	_ =	shalt  }
0x86: {  	_ =	shalt  }
0x87: {  	_ =	shalt  }
.Lfunc_end0:
.L_simem_size_0:
called_computation_lowered:
.L_overlay_start_0:
0x88: {  	s2 =	sld [smem:$0x3FD9]  }
0x89: {  	s3 =	sld [smem:$0x3FFE];
	_ =	sdelay $0x1  }
0x8a: {  	s1 =	srdreg.scid  }
0x8b: {  	s0 =	sand.u32 $0x1, s1  }
0x8c: {  	s18 =	sshll.u32 s0, $0xA;
	s2 =	sadd.s32 s3, s2  }
0x8d: {  	s2 =	sadd.s32 s2, s18  }
0x8e: {  	[smem:$0x3FC6] =	sst s2  }
0x8f: {  	_ = 	snop  }
0x90: {  	s2 =	sld [smem:$0x3FC9]  }
0x91: {  	s19 =	sld [smem:$0x3FC8]  }
0x92: {  	s4 =	sld [smem:$0x3FD0];
	(tm) =	ssettm $0x1  }
0x93: {  	s5 =	sld [smem:$0x3FFB];
	_ =	sdelay $0x3  }
0x94: {  	_ =	strace s5  }
0x95: {  	s5 =	sld [smem:$0x3FFC];
	_ =	sdelay $0x3  }
0x96: {  	_ =	strace s5  }
0x97: {  	s5 =	sld [smem:$0x3FFD];
	_ =	sdelay $0x3  }
0x98: {  	_ =	strace s5  }
0x99: {  	_ =	strace $0x8FFFFFFF  }
0x9a: {  	s20 =	sld [smem:$0x3FDB];
	_ =	sdelay $0x1  }
0x9b: {  	s6 =	simm.s32 $_scs_section_size  }
0x9c: {  	s7 =	simm.s32 $_size__tile_overlayer_lowered;
	s8 =	simm.s32 $_tile_overlayer_lowered  }
0x9d: {  	s23 =	simm.s32 $0x1BFF;
	s22 =	sshll.u32 s8, $0x1;
	s5 =	sadd.s32 s6, s20  }
0x9e: {  	s9 =	simm.s32 $0x0;
	s21 =	sshll.u32 s7, $0x1;
	s7 =	sadd.s32 s22, s5  }
0x9f: {  	[timem:s9], [sflag:s23] =	dma.local [hbm:s7], s21  }
0xa0: {  	_ =	swait.ge [sflag:s23], s21  }
0xa1: {  	s6 =	ssub.s32 $0x0, s21;
	[sflag:s23] =	ssyncset.done $0x0  }
0xa2: {  	[sflag:s23] =	ssyncadd.s32 s6;
	_ =	sdelay $0x1  }
0xa3: {  	s24 =	simm.s32 $0x1B8B  }
0xa4: {  	_ =	swait.ge [sflag:s24], $0x1  }
0xa5: {  	[sflag:s24] =	ssyncset.done $0x0  }
0xa6: {  	s25 =	simm.s32 $0x1B8E;
	[sflag:s24] =	ssyncadd.s32 $0xFFFFFFFF  }
0xa7: {  	s26 =	simm.s32 $execute0_lowered;
	[smem:$0x3FD2] =	sst s25  }
0xa8: {  	s6 =	sshll.u32 s26, $0x1;
	_ =	strace $0x80000046;
	[dreg:$0x1] =	wrdreg $0xFFFFFFFF  }
0xa9: {  	s28 =	simm.s32 $_size_execute0_lowered;
	s5 =	sadd.s32 s5, s6;
	[dreg:$0x0] =	wrdreg $0x0  }
0xaa: {  	s6 =	sshll.u32 s28, $0x1;
	[dreg:$0x2] =	wrdreg s5  }
0xab: {  	[dreg:$0x3] =	wrdreg s6  }
0xac: {  	[dreg:$0x4] =	wrdreg $0xC0  }
0xad: {  	_ =	task [dreg:s9], $0x5FFFF  }
0xae: {  	[dreg:$0x1] =	wrdreg $0xFFFFFFFF  }
0xaf: {  	[dreg:$0x0] =	wrdreg $0x60  }
0xb0: {  	[dreg:$0x2] =	wrdreg s2  }
0xb1: {  	[dreg:$0x3] =	wrdreg s19  }
0xb2: {  	[dreg:$0x4] =	wrdreg s4  }
0xb3: {  	[dreg:$0x5] =	wrdreg $0x9  }
0xb4: {  	_ =	task.clear_ibuf [dreg:s9], $0x6FFFF;
	_ =	strace $0x90000046  }
0xb5: {  	s29 =	simm.s32 $0x9;
	_ =	strace $0x80000048  }
0xb6: {  	_ =	swait.ge [sflag:s29], $0x1  }
0xb7: {  	[sflag:s29] =	ssyncadd.s32 $0xFFFFFFFF  }
0xb8: {  	_ =	strace $0x90000048  }
0xb9: {  	_ =	sfence  }
0xba: {  	s30 =	sld [smem:$0x0];
	_ =	sdelay $0x2  }
0xbb: {  	s31 =	sshll.u32 s1, $0xD;
	s1 =	sshrl.u32 s1, $0x2  }
0xbc: {  	s3 =	sand.u32 $0x4000, s31;
	s1 =	sadd.s32 s1, s30  }
0xbd: {  	s0 =	sor.u32 s3, s0;
	s1 =	sshll.u32 s1, $0x11  }
0xbe: {  	s0 =	sor.u32 s1, s0  }
0xbf: {  	s0 =	sadd.s32 $0x8F2B, s0  }
0xc0: {  	[sflag:s0] =	ssyncadd.remote.s32 $0x1  }
0xc1: {  	_ =	sfence.sel $0xFFFF  }
0xc2: {  	[dreg:$0x0] =	wrdreg $0xFFFFFFFF;
	(pc) =	sbr.abs _section_cstart, $3  }
0xc3: {  	[dreg:$0x1] =	wrdreg $0xFFFFFFFF  }
0xc4: {  	_ =	task.clear_ibuf [dreg:s9], $0x2FFFF;
	_ =	strace $0x9FFFFFFF  }
0xc5: {  	(tm) =	ssettm $0x7FFFFFFF  }
tec
execute0_lowered:
.L_overlay_start_1:
0x0: {  	(tag) =	ssettag $0x1  }
0x1: {  	s1 =	rddreg [dreg:$0x0]  }
0x2: {  	s0 =	rddreg [dreg:$0x1]  }
0x3: {  	s2 =	rddreg [dreg:$0x2]  }
0x4: {  	s4 =	srdreg.scid;
	s3 =	simm.s32 $0x0;
	s10 =	stileid.u32  }
0x5: {  	s12 =	simm.s32 $0x400;
	s20 =	simm.s32 $0x4400;
	s29 =	simm.s32 $0x1  }
0x6: {  	s30 =	simm.s32 $0x8400;
	s11 =	simm.s32 $0xBC00;
	s13 =	simm.s32 $0x2  }
0x7: {  	s14 =	simm.s32 $0xC400;
	s15 =	simm.s32 $0xCC00;
	s16 =	simm.s32 $0xD400  }
0x8: {  	s17 =	simm.s32 $0xDC00;
	s18 =	simm.s32 $0xE400;
	s19 =	simm.s32 $0xEC00  }
0x9: {  	s21 =	simm.s32 $0xF400;
	s22 =	simm.s32 $0xFC00;
	s23 =	simm.s32 $0x3  }
0xa: {  	s28 =	simm.s32 $0x0;
	s4 =	sand.u32 $0x1, s4;
	s6 =	sshll.u32 s10, $0xB  }
0xb: {  	[smem:$0x7FF] =	sst s3;
	s26 =	sshll.u32 s10, $0x12;
	s5 =	ssub.s32 $0x2, s4  }
0xc: {  	s7 =	sshll.u32 s4, $0xA;
	_ =	strace $0x80000047;
	s4 =	sshll.u32 s4, $0x11  }
0xd: {  	s8 =	sshrl.u32 s5, $0x1;
	s9 =	sor.u32 s7, s6;
	s6 =	sadd.s32 $0x200, s1  }
0xe: {  	s7 =	sadd.s32 $0x300, s1;
	s8 =	ssub.s32 s5, s8;
	s24 =	sshrl.u32 s9, $0x3  }
0xf: {  	s5 =	sadd.s32 $0x100, s1;
	s25 =	sshll.u32 s9, $0x7;
	s9 =	simm.s32 $0xB400  }
.Ltmp0:
0x10: {  	s0 =	sadd.s32 s0, s24;
	s31 =	smax.u32 s8, $0x1;
	(pc) =	sbr.rel .LBB2_1-.Ltmp0, $4  }
0x11: {  	s8 =	simm.s32 $0xAC00;
	s24 =	simm.s32 $0x4;
	[dreg:$0x4] =	wrdreg s0  }
0x12: {  	v2 =	vlaneseq.u32;
	s0 =	sadd.s32 s25, s2;
	s2 =	sadd.s32 s26, s2;
	[dreg:$0x6] =	wrdreg s31  }
0x13: {  	vm0 =	vmmov $0xffff;
	v1 =	vshrl.u32 v2, $0x3;
	s25 =	simm.s32 $0x5;
	s26 =	simm.s32 $0x6;
	s0 =	sadd.s32 $0x1F800, s0  }
0x14: {  	v0 =	vand.u32 $0x7, v2;
	v2 =	vor.u32 $0x8, v2;
	v1 =	vmul.u32 $0x8, v1;
	s10 =	sadd.s32 s4, s2;
	s4 =	simm.s32 $0xA400;
	[dreg:$0x5] =	wrdreg s0  }
.LBB2_4:
0x15: {  	_ =	swait.ge [sflag:s24], $0x4000  }
0x16: {  	[sflag:s24] =	ssyncset.done $0x0  }
0x17: {  	s0 =	rddreg [dreg:$0x5];
	[sflag:s24] =	ssyncadd.s32 $0xFFFFC000  }
0x18: {  	[hbm4b:s0+s3] =	stream.linear.scatter [tilespmem:s14], [sflag:$0x8], $0x4000, $0x38;
	[tilespmem:$0x10400] =	vst v63  }
0x19: {  	_ =	swait.ge [sflag:s25], $0x4000  }
0x1a: {  	[sflag:s25] =	ssyncset.done $0x0  }
0x1b: {  	[sflag:s25] =	ssyncadd.s32 $0xFFFFC000  }
0x1c: {  	_ =	swait.ge [sflag:s26], $0x4000  }
0x1d: {  	[sflag:s26] =	ssyncset.done $0x0  }
0x1e: {  	s2 =	simm.s32 $0x7;
	[sflag:s26] =	ssyncadd.s32 $0xFFFFC000  }
0x1f: {  	_ =	swait.ge [sflag:s2], $0x4000  }
0x20: {  	[sflag:s2] =	ssyncset.done $0x0  }
0x21: {  	[sflag:s2] =	ssyncadd.s32 $0xFFFFC000;
	s2 =	simm.s32 $0x8  }
0x22: {  	_ =	swait.ge [sflag:s2], $0x4000  }
0x23: {  	s28 =	rddreg [dreg:$0x7]  }
0x24: {  	s31 =	rddreg [dreg:$0x6];
	s28 =	sadd.s32 $0x1, s28  }
0x25: {  	p0 =	sne.s32 s28, s31  }
.Ltmp1:
0x26: {  	_ = 	snop;
	(pc) =	sbr.rel @!p0 .LBB2_5-.Ltmp1, $3  }
0x27: {  	_ =	sdelay $0x1  }
0x28: {  	[sflag:s2] =	ssyncset.done $0x0  }
0x29: {  	[sflag:s2] =	ssyncadd.s32 $0xFFFFC000  }
.LBB2_1:
0x2a: {  	[dreg:$0x7] =	wrdreg s28  }
0x2b: {  	s0 =	rddreg [dreg:$0x4];
	s2 =	simm.s32 $0x9  }
0x2c: {  	[tilespmem:s3], [sflag:$0x9] =	stream.linear.gather [hbm4b:s0+s3], $0x400, $0x38;
	[tilespmem:$0x10400] =	vst v63  }
0x2d: {  	_ =	swait.ge [sflag:s2], $0x400  }
0x2e: {  	[sflag:s2] =	ssyncset.done $0x0  }
0x2f: {  	[sflag:s2] =	ssyncadd.s32 $0xFFFFFC00  }
0x30: {  	v3 =	vld [tilespmem:$0x0];
	_ =	sdelay $0x4  }
0x31: {  	v4 =	vshll.u32 v3, $0x3  }
0x32: {  	v3 =	vand.u32 $0x7, v3;
	v4 =	vand.u32 $0xFFFFFFC0, v4  }
0x33: {  	v3 =	vor.u32 v3, v4  }
0x34: {  	v4 =	vperm.xlane v3, v0;
	_ =	sdelay $0x1  }
0x35: {  	v4 =	vadd.s32 v1, v4;
	_ =	sdelay $0x4  }
0x36: {  	[tilespmem:s12], [sflag:$0x1] =	stream.indirect_vreg.gather [hbm4b:s1+s3], $0x80, v4, vm0, $0xb8;
	[tilespmem:$0x10400] =	vst v63  }
0x37: {  	s2 =	simm.s32 $0xC00;
	v3 =	vperm.xlane v3, v2  }
0x38: {  	[tilespmem:s2], [sflag:$0x1] =	stream.indirect_vreg.gather [hbm4b:s5+s3], $0x80, v4, vm0, $0xb8;
	[tilespmem:$0x10400] =	vst v63  }
0x39: {  	v3 =	vadd.s32 v1, v3;
	s2 =	simm.s32 $0x1400  }
0x3a: {  	[tilespmem:s2], [sflag:$0x1] =	stream.indirect_vreg.gather [hbm4b:s6+s3], $0x80, v4, vm0, $0xb8;
	[tilespmem:$0x10400] =	vst v63  }
0x3b: {  	s2 =	simm.s32 $0x1C00  }
0x3c: {  	[tilespmem:s2], [sflag:$0x1] =	stream.indirect_vreg.gather [hbm4b:s7+s3], $0x80, v4, vm0, $0xb8;
	[tilespmem:$0x10400] =	vst v63  }
0x3d: {  	s2 =	simm.s32 $0x2400  }
0x3e: {  	[tilespmem:s2], [sflag:$0x1] =	stream.indirect_vreg.gather [hbm4b:s1+s3], $0x80, v3, vm0, $0xb8;
	[tilespmem:$0x10400] =	vst v63  }
0x3f: {  	s2 =	simm.s32 $0x2C00  }
0x40: {  	[tilespmem:s2], [sflag:$0x1] =	stream.indirect_vreg.gather [hbm4b:s5+s3], $0x80, v3, vm0, $0xb8;
	[tilespmem:$0x10400] =	vst v63  }
0x41: {  	s2 =	simm.s32 $0x3400  }
0x42: {  	[tilespmem:s2], [sflag:$0x1] =	stream.indirect_vreg.gather [hbm4b:s6+s3], $0x80, v3, vm0, $0xb8;
	[tilespmem:$0x10400] =	vst v63  }
0x43: {  	s2 =	simm.s32 $0x3C00  }
0x44: {  	[tilespmem:s2], [sflag:$0x1] =	stream.indirect_vreg.gather [hbm4b:s7+s3], $0x80, v3, vm0, $0xb8;
	[tilespmem:$0x10400] =	vst v63  }
0x45: {  	v3 =	vld [tilespmem:$0x10];
	_ =	sdelay $0x4  }
0x46: {  	v63 =	vshll.u32 v3, $0x3  }
0x47: {  	v3 =	vand.u32 $0x7, v3;
	v4 =	vand.u32 $0xFFFFFFC0, v63  }
0x48: {  	v3 =	vor.u32 v3, v4  }
0x49: {  	v4 =	vperm.xlane v3, v0;
	_ =	sdelay $0x1  }
0x4a: {  	v4 =	vadd.s32 v1, v4;
	_ =	sdelay $0x4  }
0x4b: {  	[tilespmem:s20], [sflag:$0x2] =	stream.indirect_vreg.gather [hbm4b:s1+s3], $0x80, v4, vm0, $0xb8;
	[tilespmem:$0x10400] =	vst v63  }
0x4c: {  	s2 =	simm.s32 $0x4C00;
	v3 =	vperm.xlane v3, v2  }
0x4d: {  	[tilespmem:s2], [sflag:$0x2] =	stream.indirect_vreg.gather [hbm4b:s5+s3], $0x80, v4, vm0, $0xb8;
	[tilespmem:$0x10400] =	vst v63  }
0x4e: {  	v3 =	vadd.s32 v1, v3;
	s2 =	simm.s32 $0x5400  }
0x4f: {  	[tilespmem:s2], [sflag:$0x2] =	stream.indirect_vreg.gather [hbm4b:s6+s3], $0x80, v4, vm0, $0xb8;
	[tilespmem:$0x10400] =	vst v63  }
0x50: {  	s2 =	simm.s32 $0x5C00  }
0x51: {  	[tilespmem:s2], [sflag:$0x2] =	stream.indirect_vreg.gather [hbm4b:s7+s3], $0x80, v4, vm0, $0xb8;
	[tilespmem:$0x10400] =	vst v63  }
0x52: {  	s2 =	simm.s32 $0x6400  }
0x53: {  	[tilespmem:s2], [sflag:$0x2] =	stream.indirect_vreg.gather [hbm4b:s1+s3], $0x80, v3, vm0, $0xb8;
	[tilespmem:$0x10400] =	vst v63  }
0x54: {  	s2 =	simm.s32 $0x6C00  }
0x55: {  	[tilespmem:s2], [sflag:$0x2] =	stream.indirect_vreg.gather [hbm4b:s5+s3], $0x80, v3, vm0, $0xb8;
	[tilespmem:$0x10400] =	vst v63  }
0x56: {  	s2 =	simm.s32 $0x7400  }
0x57: {  	[tilespmem:s2], [sflag:$0x2] =	stream.indirect_vreg.gather [hbm4b:s6+s3], $0x80, v3, vm0, $0xb8;
	[tilespmem:$0x10400] =	vst v63  }
0x58: {  	s28 =	simm.s32 $0x30;
	s31 =	simm.s32 $0x0;
	s2 =	simm.s32 $0x7C00  }
0x59: {  	[tilespmem:s2], [sflag:$0x2] =	stream.indirect_vreg.gather [hbm4b:s7+s3], $0x80, v3, vm0, $0xb8;
	[tilespmem:$0x10400] =	vst v63  }
.LBB2_2:
0x5a: {  	_ =	swait.ge [sflag:s29], $0x4000  }
0x5b: {  	p0 =	seq.s32 s31, $0x0;
	[sflag:s29] =	ssyncset.done $0x0  }
0x5c: {  	s0 =	sadd.s32 s31, s10;
	s2 =	simm.s32 @!p0 $0x7;
	[sflag:s29] =	ssyncadd.s32 $0xFFFFC000  }
0x5d: {  	[hbm4b:s0+s3] =	stream.linear.scatter [tilespmem:s12], [sflag:$0x5], $0x4000, $0x38;
	[tilespmem:$0x10400] =	vst v63  }
0x5e: {  	_ =	swait.ge @!p0 [sflag:s2], $0x4000  }
0x5f: {  	[sflag:s2] =	ssyncset.done @!p0 $0x0  }
0x60: {  	[sflag:s2] =	ssyncadd.s32 @!p0 $0xFFFFC000  }
0x61: {  	v3 =	vld [tilespmem:s28+$0xFFFFFFF0];
	_ =	sdelay $0x4  }
0x62: {  	v4 =	vshll.u32 v3, $0x3  }
0x63: {  	v3 =	vand.u32 $0x7, v3;
	v4 =	vand.u32 $0xFFFFFFC0, v4  }
0x64: {  	v3 =	vor.u32 v3, v4  }
0x65: {  	v4 =	vperm.xlane v3, v0;
	_ =	sdelay $0x1  }
0x66: {  	v4 =	vadd.s32 v1, v4;
	_ =	sdelay $0x4  }
0x67: {  	[tilespmem:s30], [sflag:$0x3] =	stream.indirect_vreg.gather [hbm4b:s1+s3], $0x80, v4, vm0, $0xb8;
	[tilespmem:$0x10400] =	vst v63  }
0x68: {  	s2 =	simm.s32 $0x8C00;
	v3 =	vperm.xlane v3, v2  }
0x69: {  	[tilespmem:s2], [sflag:$0x3] =	stream.indirect_vreg.gather [hbm4b:s5+s3], $0x80, v4, vm0, $0xb8;
	[tilespmem:$0x10400] =	vst v63  }
0x6a: {  	v3 =	vadd.s32 v1, v3;
	s2 =	simm.s32 $0x9400  }
0x6b: {  	[tilespmem:s2], [sflag:$0x3] =	stream.indirect_vreg.gather [hbm4b:s6+s3], $0x80, v4, vm0, $0xb8;
	[tilespmem:$0x10400] =	vst v63  }
0x6c: {  	s2 =	simm.s32 $0x9C00  }
0x6d: {  	[tilespmem:s2], [sflag:$0x3] =	stream.indirect_vreg.gather [hbm4b:s7+s3], $0x80, v4, vm0, $0xb8;
	[tilespmem:$0x10400] =	vst v63  }
0x6e: {  	_ = 	snop  }
0x6f: {  	[tilespmem:s4], [sflag:$0x3] =	stream.indirect_vreg.gather [hbm4b:s1+s3], $0x80, v3, vm0, $0xb8;
	[tilespmem:$0x10400] =	vst v63  }
0x70: {  	_ = 	snop  }
0x71: {  	[tilespmem:s8], [sflag:$0x3] =	stream.indirect_vreg.gather [hbm4b:s5+s3], $0x80, v3, vm0, $0xb8;
	[tilespmem:$0x10400] =	vst v63  }
0x72: {  	_ = 	snop  }
0x73: {  	[tilespmem:s9], [sflag:$0x3] =	stream.indirect_vreg.gather [hbm4b:s6+s3], $0x80, v3, vm0, $0xb8;
	[tilespmem:$0x10400] =	vst v63  }
0x74: {  	_ = 	snop  }
0x75: {  	[tilespmem:s11], [sflag:$0x3] =	stream.indirect_vreg.gather [hbm4b:s7+s3], $0x80, v3, vm0, $0xb8;
	[tilespmem:$0x10400] =	vst v63  }
0x76: {  	_ =	swait.ge [sflag:s13], $0x4000  }
0x77: {  	[sflag:s13] =	ssyncset.done $0x0  }
0x78: {  	s2 =	sadd.s32 $0x800, s0;
	[sflag:s13] =	ssyncadd.s32 $0xFFFFC000  }
0x79: {  	[hbm4b:s2+s3] =	stream.linear.scatter [tilespmem:s20], [sflag:$0x6], $0x4000, $0x38;
	[tilespmem:$0x10400] =	vst v63  }
0x7a: {  	s2 =	simm.s32 @!p0 $0x8  }
0x7b: {  	_ =	swait.ge @!p0 [sflag:s2], $0x4000  }
0x7c: {  	[sflag:s2] =	ssyncset.done @!p0 $0x0  }
0x7d: {  	[sflag:s2] =	ssyncadd.s32 @!p0 $0xFFFFC000  }
0x7e: {  	v3 =	vld [tilespmem:s28+$0x0];
	_ =	sdelay $0x4  }
0x7f: {  	v63 =	vshll.u32 v3, $0x3  }
0x80: {  	v3 =	vand.u32 $0x7, v3;
	v4 =	vand.u32 $0xFFFFFFC0, v63  }
0x81: {  	v3 =	vor.u32 v3, v4  }
0x82: {  	v4 =	vperm.xlane v3, v0;
	_ =	sdelay $0x1  }
0x83: {  	v4 =	vadd.s32 v1, v4;
	_ =	sdelay $0x4  }
0x84: {  	[tilespmem:s14], [sflag:$0x4] =	stream.indirect_vreg.gather [hbm4b:s1+s3], $0x80, v4, vm0, $0xb8;
	[tilespmem:$0x10400] =	vst v63  }
0x85: {  	v3 =	vperm.xlane v3, v2  }
0x86: {  	[tilespmem:s15], [sflag:$0x4] =	stream.indirect_vreg.gather [hbm4b:s5+s3], $0x80, v4, vm0, $0xb8;
	[tilespmem:$0x10400] =	vst v63  }
0x87: {  	v3 =	vadd.s32 v1, v3  }
0x88: {  	[tilespmem:s16], [sflag:$0x4] =	stream.indirect_vreg.gather [hbm4b:s6+s3], $0x80, v4, vm0, $0xb8;
	[tilespmem:$0x10400] =	vst v63  }
0x89: {  	_ = 	snop  }
0x8a: {  	[tilespmem:s17], [sflag:$0x4] =	stream.indirect_vreg.gather [hbm4b:s7+s3], $0x80, v4, vm0, $0xb8;
	[tilespmem:$0x10400] =	vst v63  }
0x8b: {  	_ = 	snop  }
0x8c: {  	[tilespmem:s18], [sflag:$0x4] =	stream.indirect_vreg.gather [hbm4b:s1+s3], $0x80, v3, vm0, $0xb8;
	[tilespmem:$0x10400] =	vst v63  }
0x8d: {  	_ = 	snop  }
0x8e: {  	[tilespmem:s19], [sflag:$0x4] =	stream.indirect_vreg.gather [hbm4b:s5+s3], $0x80, v3, vm0, $0xb8;
	[tilespmem:$0x10400] =	vst v63  }
0x8f: {  	_ = 	snop  }
0x90: {  	[tilespmem:s21], [sflag:$0x4] =	stream.indirect_vreg.gather [hbm4b:s6+s3], $0x80, v3, vm0, $0xb8;
	[tilespmem:$0x10400] =	vst v63  }
0x91: {  	p0 =	seq.s32 s31, $0x1E000  }
0x92: {  	[tilespmem:s22], [sflag:$0x4] =	stream.indirect_vreg.gather [hbm4b:s7+s3], $0x80, v3, vm0, $0xb8;
	[tilespmem:$0x10400] =	vst v63  }
.Ltmp2:
0x93: {  	_ = 	snop;
	(pc) =	sbr.rel @p0 .LBB2_4-.Ltmp2, $4  }
0x94: {  	_ =	swait.ge [sflag:s23], $0x4000  }
0x95: {  	[sflag:s23] =	ssyncset.done $0x0  }
0x96: {  	s2 =	sadd.s32 $0x1000, s0;
	[sflag:s23] =	ssyncadd.s32 $0xFFFFC000  }
0x97: {  	[hbm4b:s2+s3] =	stream.linear.scatter [tilespmem:s30], [sflag:$0x7], $0x4000, $0x38;
	[tilespmem:$0x10400] =	vst v63  }
0x98: {  	_ =	swait.ge [sflag:s25], $0x4000  }
0x99: {  	[sflag:s25] =	ssyncset.done $0x0  }
0x9a: {  	[sflag:s25] =	ssyncadd.s32 $0xFFFFC000  }
0x9b: {  	v3 =	vld [tilespmem:s28+$0x10];
	_ =	sdelay $0x4  }
0x9c: {  	v4 =	vshll.u32 v3, $0x3  }
0x9d: {  	v3 =	vand.u32 $0x7, v3;
	v4 =	vand.u32 $0xFFFFFFC0, v4  }
0x9e: {  	v3 =	vor.u32 v3, v4  }
0x9f: {  	v4 =	vperm.xlane v3, v0;
	_ =	sdelay $0x1  }
0xa0: {  	v4 =	vadd.s32 v1, v4;
	_ =	sdelay $0x4  }
0xa1: {  	[tilespmem:s12], [sflag:$0x1] =	stream.indirect_vreg.gather [hbm4b:s1+s3], $0x80, v4, vm0, $0xb8;
	[tilespmem:$0x10400] =	vst v63  }
0xa2: {  	s2 =	simm.s32 $0xC00;
	v3 =	vperm.xlane v3, v2  }
0xa3: {  	[tilespmem:s2], [sflag:$0x1] =	stream.indirect_vreg.gather [hbm4b:s5+s3], $0x80, v4, vm0, $0xb8;
	[tilespmem:$0x10400] =	vst v63  }
0xa4: {  	v3 =	vadd.s32 v1, v3;
	s2 =	simm.s32 $0x1400  }
0xa5: {  	[tilespmem:s2], [sflag:$0x1] =	stream.indirect_vreg.gather [hbm4b:s6+s3], $0x80, v4, vm0, $0xb8;
	[tilespmem:$0x10400] =	vst v63  }
0xa6: {  	s2 =	simm.s32 $0x1C00  }
0xa7: {  	[tilespmem:s2], [sflag:$0x1] =	stream.indirect_vreg.gather [hbm4b:s7+s3], $0x80, v4, vm0, $0xb8;
	[tilespmem:$0x10400] =	vst v63  }
0xa8: {  	s2 =	simm.s32 $0x2400  }
0xa9: {  	[tilespmem:s2], [sflag:$0x1] =	stream.indirect_vreg.gather [hbm4b:s1+s3], $0x80, v3, vm0, $0xb8;
	[tilespmem:$0x10400] =	vst v63  }
0xaa: {  	s2 =	simm.s32 $0x2C00  }
0xab: {  	[tilespmem:s2], [sflag:$0x1] =	stream.indirect_vreg.gather [hbm4b:s5+s3], $0x80, v3, vm0, $0xb8;
	[tilespmem:$0x10400] =	vst v63  }
0xac: {  	s2 =	simm.s32 $0x3400  }
0xad: {  	[tilespmem:s2], [sflag:$0x1] =	stream.indirect_vreg.gather [hbm4b:s6+s3], $0x80, v3, vm0, $0xb8;
	[tilespmem:$0x10400] =	vst v63  }
0xae: {  	s2 =	simm.s32 $0x3C00  }
0xaf: {  	[tilespmem:s2], [sflag:$0x1] =	stream.indirect_vreg.gather [hbm4b:s7+s3], $0x80, v3, vm0, $0xb8;
	[tilespmem:$0x10400] =	vst v63  }
0xb0: {  	_ =	swait.ge [sflag:s24], $0x4000  }
0xb1: {  	[sflag:s24] =	ssyncset.done $0x0  }
0xb2: {  	s0 =	sadd.s32 $0x1800, s0;
	[sflag:s24] =	ssyncadd.s32 $0xFFFFC000  }
0xb3: {  	[hbm4b:s0+s3] =	stream.linear.scatter [tilespmem:s14], [sflag:$0x8], $0x4000, $0x38;
	[tilespmem:$0x10400] =	vst v63  }
0xb4: {  	_ =	swait.ge [sflag:s26], $0x4000  }
0xb5: {  	[sflag:s26] =	ssyncset.done $0x0  }
0xb6: {  	[sflag:s26] =	ssyncadd.s32 $0xFFFFC000  }
0xb7: {  	v3 =	vld [tilespmem:s28+$0x20];
	_ =	sdelay $0x4  }
0xb8: {  	v63 =	vshll.u32 v3, $0x3  }
0xb9: {  	v3 =	vand.u32 $0x7, v3;
	v4 =	vand.u32 $0xFFFFFFC0, v63  }
0xba: {  	v3 =	vor.u32 v3, v4  }
0xbb: {  	v4 =	vperm.xlane v3, v0;
	_ =	sdelay $0x1  }
0xbc: {  	v4 =	vadd.s32 v1, v4;
	_ =	sdelay $0x4  }
0xbd: {  	[tilespmem:s20], [sflag:$0x2] =	stream.indirect_vreg.gather [hbm4b:s1+s3], $0x80, v4, vm0, $0xb8;
	[tilespmem:$0x10400] =	vst v63  }
0xbe: {  	s2 =	simm.s32 $0x4C00;
	v3 =	vperm.xlane v3, v2  }
0xbf: {  	[tilespmem:s2], [sflag:$0x2] =	stream.indirect_vreg.gather [hbm4b:s5+s3], $0x80, v4, vm0, $0xb8;
	[tilespmem:$0x10400] =	vst v63  }
0xc0: {  	v3 =	vadd.s32 v1, v3;
	s2 =	simm.s32 $0x5400  }
0xc1: {  	[tilespmem:s2], [sflag:$0x2] =	stream.indirect_vreg.gather [hbm4b:s6+s3], $0x80, v4, vm0, $0xb8;
	[tilespmem:$0x10400] =	vst v63  }
0xc2: {  	s2 =	simm.s32 $0x5C00  }
0xc3: {  	[tilespmem:s2], [sflag:$0x2] =	stream.indirect_vreg.gather [hbm4b:s7+s3], $0x80, v4, vm0, $0xb8;
	[tilespmem:$0x10400] =	vst v63  }
0xc4: {  	s2 =	simm.s32 $0x6400  }
0xc5: {  	[tilespmem:s2], [sflag:$0x2] =	stream.indirect_vreg.gather [hbm4b:s1+s3], $0x80, v3, vm0, $0xb8;
	[tilespmem:$0x10400] =	vst v63  }
0xc6: {  	s2 =	simm.s32 $0x6C00  }
0xc7: {  	[tilespmem:s2], [sflag:$0x2] =	stream.indirect_vreg.gather [hbm4b:s5+s3], $0x80, v3, vm0, $0xb8;
	[tilespmem:$0x10400] =	vst v63  }
.Ltmp3:
0xc8: {  	_ = 	snop;
	(pc) =	sbr.rel .LBB2_2-.Ltmp3, $4  }
0xc9: {  	s2 =	simm.s32 $0x7400  }
0xca: {  	[tilespmem:s2], [sflag:$0x2] =	stream.indirect_vreg.gather [hbm4b:s6+s3], $0x80, v3, vm0, $0xb8;
	[tilespmem:$0x10400] =	vst v63  }
0xcb: {  	s31 =	sadd.s32 $0x2000, s31;
	s28 =	sadd.s32 $0x40, s28;
	s2 =	simm.s32 $0x7C00  }
0xcc: {  	[tilespmem:s2], [sflag:$0x2] =	stream.indirect_vreg.gather [hbm4b:s7+s3], $0x80, v3, vm0, $0xb8;
	[tilespmem:$0x10400] =	vst v63  }
.LBB2_5:
0xcd: {  	_ =	sfence.sel $0x180000  }
0xce: {  	[bflag:$0x0] =	sbarrier.arrive $0xFFFF  }
0xcf: {  	_ =	strace $0x90000047  }
0xd0: {  	s0 =	stileid.u32;
	[bflag:$0x2] =	sbarrier.arrive $0xFFFF  }
0xd1: {  	p0 =	sne.s32 s0, $0x0;
	s0 =	rddreg [dreg:$0x3]  }
0xd2: {  	s0 =	sadd.s32 @!p0 $0x100000, s0  }
0xd3: {  	[sflag:s0] =	ssyncadd.tile.s32 @!p0 $0x1;
	_ =	shalt  }
.Lfunc_end2:
_tile_overlayer_lowered:
.L_overlay_start_2:
0xd4: {  	(tag) =	ssettag $0x2  }
0xd5: {  	s0 =	rddreg [dreg:$0x0];
	s2 =	stileid.u32  }
0xd6: {  	s1 =	rddreg [dreg:$0x1];
	p0 =	sne.s32 s2, $0x0  }
0xd7: {  	s3 =	rddreg [dreg:$0x2];
	[bflag:$0x3] =	sbarrier.arrive $0xFFFF;
	s2 =	simm.s32 @!p0 $0x1C09  }
0xd8: {  	[timem:s3], [sflag:s2] =	dma.local @!p0 [hbm:s0], s1  }
0xd9: {  	s0 =	simm.s32 @!p0 $0x9  }
0xda: {  	_ =	swait.ge @!p0 [sflag:s0], s1  }
0xdb: {  	s1 =	ssub.s32 @!p0 $0x0, s1;
	[sflag:s0] =	ssyncset.done @!p0 $0x0  }
0xdc: {  	[sflag:s0] =	ssyncadd.s32 @!p0 s1  }
0xdd: {  	[bflag:$0x3] =	sbarrier.arrive $0xFFFF  }
0xde: {  	_ =	shalt  }

</sc_bundles>
